<compile_context>
chip_gen: v7x
topology: tpu7x:2x2x1
jax: 0.10.2.dev20260603
libtpu: 0.0.44.dev20260713+nightly
codegen_flags: <defaults>
</compile_context>

<pallas_src>
import functools

import jax
import jax.numpy as jnp
from jax import lax
from jax.experimental import pallas as pl
from jax.experimental.pallas import tpu as pltpu
from jax.experimental.pallas import tpu_sc as plsc

_BATCH = 16384
_D = 64
_H1 = 128
_H2 = 64

_IDX_CHUNK = 128


def _sc_gather(users, movies, U, M):
    info = plsc.get_sparse_core_info()
    nw = 16
    b_per_w = _BATCH // nw
    n_chunks = b_per_w // _IDX_CHUNK

    mesh = plsc.VectorSubcoreMesh(core_axis_name="c", subcore_axis_name="s",
                                  num_cores=1)

    @functools.partial(
        pl.kernel,
        mesh=mesh,
        compiler_params=pltpu.CompilerParams(use_tc_tiling_on_sc=False),
        out_type=[
            jax.ShapeDtypeStruct((_BATCH, _D), jnp.float32),
            jax.ShapeDtypeStruct((_BATCH, _D), jnp.float32),
        ],
        scratch_types=[
            pltpu.VMEM((n_chunks, _IDX_CHUNK), jnp.int32),
            pltpu.VMEM((n_chunks, _IDX_CHUNK), jnp.int32),
            pltpu.VMEM((b_per_w, _D), jnp.float32),
            pltpu.SemaphoreType.DMA,
        ],
    )
    def gather_kernel(users_hbm, movies_hbm, u_hbm, m_hbm, ue_hbm, me_hbm,
                      uidx_v, midx_v, rows_v, sem):
        wid = lax.axis_index("s")
        base = wid * b_per_w
        pltpu.sync_copy(users_hbm.at[wid], uidx_v)
        pltpu.sync_copy(movies_hbm.at[wid], midx_v)
        for j in range(n_chunks):
            pltpu.async_copy(u_hbm.at[uidx_v.at[j]],
                             rows_v.at[pl.ds(j * _IDX_CHUNK, _IDX_CHUNK)],
                             sem)
        pltpu.make_async_copy(u_hbm.at[pl.ds(0, b_per_w)], rows_v, sem).wait()
        pltpu.sync_copy(rows_v, ue_hbm.at[pl.ds(base, b_per_w)])
        for j in range(n_chunks):
            pltpu.async_copy(m_hbm.at[midx_v.at[j]],
                             rows_v.at[pl.ds(j * _IDX_CHUNK, _IDX_CHUNK)],
                             sem)
        pltpu.make_async_copy(m_hbm.at[pl.ds(0, b_per_w)], rows_v, sem).wait()
        pltpu.sync_copy(rows_v, me_hbm.at[pl.ds(base, b_per_w)])

    users3 = users.astype(jnp.int32).reshape(nw, n_chunks, _IDX_CHUNK)
    movies3 = movies.astype(jnp.int32).reshape(nw, n_chunks, _IDX_CHUNK)
    return gather_kernel(users3, movies3, U, M)


def _mlp_body(ue_ref, me_ref, w1u_ref, w1m_ref, b1_ref, w2_ref, b2_ref,
              wf_ref, bf_ref, out_ref):
    x = jnp.dot(ue_ref[...], w1u_ref[...], preferred_element_type=jnp.float32)
    x = x + jnp.dot(me_ref[...], w1m_ref[...],
                    preferred_element_type=jnp.float32)
    x = jnp.maximum(x + b1_ref[...], 0.0)
    x = jnp.dot(x, w2_ref[...], preferred_element_type=jnp.float32)
    x = jnp.maximum(x + b2_ref[...], 0.0)
    x = jnp.dot(x, wf_ref[...], preferred_element_type=jnp.float32)
    out_ref[...] = jax.nn.sigmoid(x + bf_ref[...])


def _mlp(ue, me, W1, b1, W2, b2, Wf, bf):
    w1t = W1.T
    w1u = w1t[:_D]
    w1m = w1t[_D:]
    w2t = W2.T
    wft = Wf.T
    b1r = b1.reshape(1, _H1)
    b2r = b2.reshape(1, _H2)
    bfr = bf.reshape(1, 1)

    bb = 2048
    grid = (_BATCH // bb,)
    full = lambda i: (0, 0)
    return pl.pallas_call(
        _mlp_body,
        grid=grid,
        in_specs=[
            pl.BlockSpec((bb, _D), lambda i: (i, 0)),
            pl.BlockSpec((bb, _D), lambda i: (i, 0)),
            pl.BlockSpec((_D, _H1), full),
            pl.BlockSpec((_D, _H1), full),
            pl.BlockSpec((1, _H1), full),
            pl.BlockSpec((_H1, _H2), full),
            pl.BlockSpec((1, _H2), full),
            pl.BlockSpec((_H2, 1), full),
            pl.BlockSpec((1, 1), full),
        ],
        out_specs=pl.BlockSpec((bb, 1), lambda i: (i, 0)),
        out_shape=jax.ShapeDtypeStruct((_BATCH, 1), jnp.float32),
    )(ue, me, w1u, w1m, b1r, w2t, b2r, wft, bfr)


def kernel(users, movies, U, M, W1, b1, W2, b2, Wf, bf):
    ue, me = _sc_gather(users, movies, U, M)
    return _mlp(ue, me, W1, b1, W2, b2, Wf, bf)

# --- scband reference (transcript-rebuilt; emitter-appended) ---
"""Pipeline reference for scband-embedding-net-28174985461882 (READ-ONLY COPY).

The authoritative reference and input builder live on the scoring server;
editing this copy changes nothing except your own understanding.
"""

import jax, jax.numpy as jnp
import numpy as np

N_USERS = 1000000
N_MOVIES = 1000000
N_FACTORS = 64
BATCH = 16384
H1 = 128
H2 = 64


def setup_inputs(seed: int = 0) -> dict:
    key = jax.random.key(seed)
    k = jax.random.split(key, 10)
    users = jax.random.randint(k[0], (BATCH,), 0, N_USERS, dtype=jnp.int64 if jax.config.jax_enable_x64 else jnp.int32)
    movies = jax.random.randint(k[1], (BATCH,), 0, N_MOVIES, dtype=jnp.int64 if jax.config.jax_enable_x64 else jnp.int32)
    # embedding tables initialized uniform(-0.05, 0.05) per module _init
    U = jax.random.uniform(k[2], (N_USERS, N_FACTORS), jnp.float32, -0.05, 0.05)
    M = jax.random.uniform(k[3], (N_MOVIES, N_FACTORS), jnp.float32, -0.05, 0.05)
    d_in = 2 * N_FACTORS
    # xavier-uniform linear weights, bias filled with 0.01
    def xavier(kk, fan_out, fan_in):
        lim = jnp.sqrt(6.0 / (fan_in + fan_out))
        return jax.random.uniform(kk, (fan_out, fan_in), jnp.float32, -lim, lim)
    W1 = xavier(k[4], H1, d_in)
    b1 = jnp.full((H1,), 0.01, jnp.float32)
    W2 = xavier(k[5], H2, H1)
    b2 = jnp.full((H2,), 0.01, jnp.float32)
    Wf = xavier(k[6], 1, H2)
    bf = jnp.full((1,), 0.01, jnp.float32)
    return {"users": users, "movies": movies, "U": U, "M": M, "W1": W1, "b1": b1, "W2": W2, "b2": b2, "Wf": Wf, "bf": bf}


def reference(users, movies, U, M, W1, b1, W2, b2, Wf, bf):
    # embedding lookups (gather)
    ue = jnp.take(U, users, axis=0)
    me = jnp.take(M, movies, axis=0)
    features = jnp.concatenate([ue, me], axis=1)
    # dropout layers are identity in eval mode
    x = jax.nn.relu(features @ W1.T + b1)
    x = jax.nn.relu(x @ W2.T + b2)
    out = jax.nn.sigmoid(x @ Wf.T + bf)
    return out

if __name__ == "__main__":
    import jax
    _d = setup_inputs()
    print(jax.jit(kernel)(*tuple(_d.values())))

</pallas_src>

<mosaic_0001>
#map = affine_map<(d0, d1) -> (0, 0, 0)>
#map1 = affine_map<(d0, d1) -> (0, 0)>
module attributes {stable_mosaic.version = 14 : i64} {
  func.func @gather_kernel(%arg0: i32, %arg1: i32, %arg2: memref<16x8x128xi32, #tpu.memory_space<hbm>>, %arg3: memref<16x8x128xi32, #tpu.memory_space<hbm>>, %arg4: memref<1000000x64xf32, #tpu.memory_space<hbm>>, %arg5: memref<1000000x64xf32, #tpu.memory_space<hbm>>, %arg6: memref<16384x64xf32, #tpu.memory_space<hbm>>, %arg7: memref<16384x64xf32, #tpu.memory_space<hbm>>, %arg8: memref<8x128xi32, #tpu.memory_space<vmem>>, %arg9: memref<8x128xi32, #tpu.memory_space<vmem>>, %arg10: memref<1024x64xf32, #tpu.memory_space<vmem>>, %arg11: memref<!tpu.dma_semaphore, #tpu.memory_space<semaphore_mem>>) attributes {dimension_semantics = [#tpu.dimension_semantics<core_parallel>, #tpu.dimension_semantics<subcore_parallel>], iteration_bounds = array<i64: 1, 16>, scalar_prefetch = 0 : i64, scratch_operands = 4 : i64, tpu.core_type = #tpu.core_type<sc_vector_subcore>, window_params = [{transform_indices = #map}, {transform_indices = #map}, {transform_indices = #map1}, {transform_indices = #map1}, {transform_indices = #map1}, {transform_indices = #map1}]} {
    %mul3A = arith.constant 1024 : i32
    %mul3A_0 = arith.muli %arg1, %mul3A : i32
    "tpu.region"() ({
      %run_scoped3A = tpu.sem_alloc : memref<!tpu.dma_semaphore, #tpu.memory_space<semaphore_mem>>
      %dma_start3A_171 = arith.constant 0 : i32
      %dma_start3A_172 = arith.constant 0 : i32
      %dma_start3A_173 = tpu.memref_slice %arg2[%arg1, %dma_start3A_171, %dma_start3A_172] : memref<16x8x128xi32, #tpu.memory_space<hbm>> -> memref<1x8x128xi32, #tpu.memory_space<hbm>>
      %dma_start3A_174 = tpu.memref_squeeze %dma_start3A_173 : memref<1x8x128xi32, #tpu.memory_space<hbm>> -> memref<8x128xi32, #tpu.memory_space<hbm>>
      %dma_start3A_175 = arith.constant 0 : i32
      %dma_start3A_176 = arith.constant 0 : i32
      %dma_start3A_177 = tpu.memref_slice %arg2[%arg1, %dma_start3A_175, %dma_start3A_176] : memref<16x8x128xi32, #tpu.memory_space<hbm>> -> memref<1x8x128xi32, #tpu.memory_space<hbm>>
      %dma_start3A_178 = tpu.memref_squeeze %dma_start3A_177 : memref<1x8x128xi32, #tpu.memory_space<hbm>> -> memref<8x128xi32, #tpu.memory_space<hbm>>
      tpu.enqueue_dma source(%dma_start3A_178 : memref<8x128xi32, #tpu.memory_space<hbm>>) target(%arg8 : memref<8x128xi32, #tpu.memory_space<vmem>>) target_semaphore(%run_scoped3A : memref<!tpu.dma_semaphore, #tpu.memory_space<semaphore_mem>>)
      %dma_wait3A_179 = arith.constant 0 : i32
      %dma_wait3A_180 = arith.constant 0 : i32
      %dma_wait3A_181 = tpu.memref_slice %arg2[%arg1, %dma_wait3A_179, %dma_wait3A_180] : memref<16x8x128xi32, #tpu.memory_space<hbm>> -> memref<1x8x128xi32, #tpu.memory_space<hbm>>
      %dma_wait3A_182 = tpu.memref_squeeze %dma_wait3A_181 : memref<1x8x128xi32, #tpu.memory_space<hbm>> -> memref<8x128xi32, #tpu.memory_space<hbm>>
      %dma_wait3A_183 = arith.constant 0 : i32
      %dma_wait3A_184 = arith.constant 0 : i32
      %dma_wait3A_185 = tpu.memref_slice %arg2[%arg1, %dma_wait3A_183, %dma_wait3A_184] : memref<16x8x128xi32, #tpu.memory_space<hbm>> -> memref<1x8x128xi32, #tpu.memory_space<hbm>>
      %dma_wait3A_186 = tpu.memref_squeeze %dma_wait3A_185 : memref<1x8x128xi32, #tpu.memory_space<hbm>> -> memref<8x128xi32, #tpu.memory_space<hbm>>
      tpu.wait_dma2 semaphore(%run_scoped3A : memref<!tpu.dma_semaphore, #tpu.memory_space<semaphore_mem>>) src(%dma_wait3A_186 : memref<8x128xi32, #tpu.memory_space<hbm>>) dst(%arg8 : memref<8x128xi32, #tpu.memory_space<vmem>>)
      tpu.yield
    }) : () -> ()
    "tpu.region"() ({
      %run_scoped3A = tpu.sem_alloc : memref<!tpu.dma_semaphore, #tpu.memory_space<semaphore_mem>>
      %dma_start3A_171 = arith.constant 0 : i32
      %dma_start3A_172 = arith.constant 0 : i32
      %dma_start3A_173 = tpu.memref_slice %arg3[%arg1, %dma_start3A_171, %dma_start3A_172] : memref<16x8x128xi32, #tpu.memory_space<hbm>> -> memref<1x8x128xi32, #tpu.memory_space<hbm>>
      %dma_start3A_174 = tpu.memref_squeeze %dma_start3A_173 : memref<1x8x128xi32, #tpu.memory_space<hbm>> -> memref<8x128xi32, #tpu.memory_space<hbm>>
      %dma_start3A_175 = arith.constant 0 : i32
      %dma_start3A_176 = arith.constant 0 : i32
      %dma_start3A_177 = tpu.memref_slice %arg3[%arg1, %dma_start3A_175, %dma_start3A_176] : memref<16x8x128xi32, #tpu.memory_space<hbm>> -> memref<1x8x128xi32, #tpu.memory_space<hbm>>
      %dma_start3A_178 = tpu.memref_squeeze %dma_start3A_177 : memref<1x8x128xi32, #tpu.memory_space<hbm>> -> memref<8x128xi32, #tpu.memory_space<hbm>>
      tpu.enqueue_dma source(%dma_start3A_178 : memref<8x128xi32, #tpu.memory_space<hbm>>) target(%arg9 : memref<8x128xi32, #tpu.memory_space<vmem>>) target_semaphore(%run_scoped3A : memref<!tpu.dma_semaphore, #tpu.memory_space<semaphore_mem>>)
      %dma_wait3A_179 = arith.constant 0 : i32
      %dma_wait3A_180 = arith.constant 0 : i32
      %dma_wait3A_181 = tpu.memref_slice %arg3[%arg1, %dma_wait3A_179, %dma_wait3A_180] : memref<16x8x128xi32, #tpu.memory_space<hbm>> -> memref<1x8x128xi32, #tpu.memory_space<hbm>>
      %dma_wait3A_182 = tpu.memref_squeeze %dma_wait3A_181 : memref<1x8x128xi32, #tpu.memory_space<hbm>> -> memref<8x128xi32, #tpu.memory_space<hbm>>
      %dma_wait3A_183 = arith.constant 0 : i32
      %dma_wait3A_184 = arith.constant 0 : i32
      %dma_wait3A_185 = tpu.memref_slice %arg3[%arg1, %dma_wait3A_183, %dma_wait3A_184] : memref<16x8x128xi32, #tpu.memory_space<hbm>> -> memref<1x8x128xi32, #tpu.memory_space<hbm>>
      %dma_wait3A_186 = tpu.memref_squeeze %dma_wait3A_185 : memref<1x8x128xi32, #tpu.memory_space<hbm>> -> memref<8x128xi32, #tpu.memory_space<hbm>>
      tpu.wait_dma2 semaphore(%run_scoped3A : memref<!tpu.dma_semaphore, #tpu.memory_space<semaphore_mem>>) src(%dma_wait3A_186 : memref<8x128xi32, #tpu.memory_space<hbm>>) dst(%arg9 : memref<8x128xi32, #tpu.memory_space<vmem>>)
      tpu.yield
    }) : () -> ()
    %dma_start3A = arith.constant 0 : i32
    %dma_start3A_1 = arith.constant 0 : i32
    %dma_start3A_2 = arith.constant 0 : i32
    %dma_start3A_3 = tpu.memref_slice %arg10[%dma_start3A_1, %dma_start3A_2] : memref<1024x64xf32, #tpu.memory_space<vmem>> -> memref<128x64xf32, #tpu.memory_space<vmem>>
    %dma_start3A_4 = arith.constant 0 : i32
    %dma_start3A_5 = tpu.memref_slice %arg8[%dma_start3A, %dma_start3A_4] : memref<8x128xi32, #tpu.memory_space<vmem>> -> memref<1x128xi32, #tpu.memory_space<vmem>>
    %dma_start3A_6 = tpu.memref_squeeze %dma_start3A_5 : memref<1x128xi32, #tpu.memory_space<vmem>> -> memref<128xi32, #tpu.memory_space<vmem>>
    %dma_start3A_7 = arith.constant 0 : i32
    %dma_start3A_8 = arith.constant 0 : i32
    %dma_start3A_9 = tpu.memref_slice %arg4[%dma_start3A_7, %dma_start3A_8] : memref<1000000x64xf32, #tpu.memory_space<hbm>> -> memref<1000000x64xf32, #tpu.memory_space<hbm>>
    tpu.enqueue_indirect_dma source(%dma_start3A_9 : memref<1000000x64xf32, #tpu.memory_space<hbm>>) target(%dma_start3A_3 : memref<128x64xf32, #tpu.memory_space<vmem>>) offsets(%dma_start3A_6 : memref<128xi32, #tpu.memory_space<vmem>>) semaphore(%arg11 : memref<!tpu.dma_semaphore, #tpu.memory_space<semaphore_mem>>)
    %dma_start3A_10 = arith.constant 1 : i32
    %dma_start3A_11 = arith.constant 128 : i32
    %dma_start3A_12 = arith.constant 0 : i32
    %dma_start3A_13 = tpu.memref_slice %arg10[%dma_start3A_11, %dma_start3A_12] : memref<1024x64xf32, #tpu.memory_space<vmem>> -> memref<128x64xf32, #tpu.memory_space<vmem>>
    %dma_start3A_14 = arith.constant 0 : i32
    %dma_start3A_15 = tpu.memref_slice %arg8[%dma_start3A_10, %dma_start3A_14] : memref<8x128xi32, #tpu.memory_space<vmem>> -> memref<1x128xi32, #tpu.memory_space<vmem>>
    %dma_start3A_16 = tpu.memref_squeeze %dma_start3A_15 : memref<1x128xi32, #tpu.memory_space<vmem>> -> memref<128xi32, #tpu.memory_space<vmem>>
    %dma_start3A_17 = arith.constant 0 : i32
    %dma_start3A_18 = arith.constant 0 : i32
    %dma_start3A_19 = tpu.memref_slice %arg4[%dma_start3A_17, %dma_start3A_18] : memref<1000000x64xf32, #tpu.memory_space<hbm>> -> memref<1000000x64xf32, #tpu.memory_space<hbm>>
    tpu.enqueue_indirect_dma source(%dma_start3A_19 : memref<1000000x64xf32, #tpu.memory_space<hbm>>) target(%dma_start3A_13 : memref<128x64xf32, #tpu.memory_space<vmem>>) offsets(%dma_start3A_16 : memref<128xi32, #tpu.memory_space<vmem>>) semaphore(%arg11 : memref<!tpu.dma_semaphore, #tpu.memory_space<semaphore_mem>>)
    %dma_start3A_20 = arith.constant 2 : i32
    %dma_start3A_21 = arith.constant 256 : i32
    %dma_start3A_22 = arith.constant 0 : i32
    %dma_start3A_23 = tpu.memref_slice %arg10[%dma_start3A_21, %dma_start3A_22] : memref<1024x64xf32, #tpu.memory_space<vmem>> -> memref<128x64xf32, #tpu.memory_space<vmem>>
    %dma_start3A_24 = arith.constant 0 : i32
    %dma_start3A_25 = tpu.memref_slice %arg8[%dma_start3A_20, %dma_start3A_24] : memref<8x128xi32, #tpu.memory_space<vmem>> -> memref<1x128xi32, #tpu.memory_space<vmem>>
    %dma_start3A_26 = tpu.memref_squeeze %dma_start3A_25 : memref<1x128xi32, #tpu.memory_space<vmem>> -> memref<128xi32, #tpu.memory_space<vmem>>
    %dma_start3A_27 = arith.constant 0 : i32
    %dma_start3A_28 = arith.constant 0 : i32
    %dma_start3A_29 = tpu.memref_slice %arg4[%dma_start3A_27, %dma_start3A_28] : memref<1000000x64xf32, #tpu.memory_space<hbm>> -> memref<1000000x64xf32, #tpu.memory_space<hbm>>
    tpu.enqueue_indirect_dma source(%dma_start3A_29 : memref<1000000x64xf32, #tpu.memory_space<hbm>>) target(%dma_start3A_23 : memref<128x64xf32, #tpu.memory_space<vmem>>) offsets(%dma_start3A_26 : memref<128xi32, #tpu.memory_space<vmem>>) semaphore(%arg11 : memref<!tpu.dma_semaphore, #tpu.memory_space<semaphore_mem>>)
    %dma_start3A_30 = arith.constant 3 : i32
    %dma_start3A_31 = arith.constant 384 : i32
    %dma_start3A_32 = arith.constant 0 : i32
    %dma_start3A_33 = tpu.memref_slice %arg10[%dma_start3A_31, %dma_start3A_32] : memref<1024x64xf32, #tpu.memory_space<vmem>> -> memref<128x64xf32, #tpu.memory_space<vmem>>
    %dma_start3A_34 = arith.constant 0 : i32
    %dma_start3A_35 = tpu.memref_slice %arg8[%dma_start3A_30, %dma_start3A_34] : memref<8x128xi32, #tpu.memory_space<vmem>> -> memref<1x128xi32, #tpu.memory_space<vmem>>
    %dma_start3A_36 = tpu.memref_squeeze %dma_start3A_35 : memref<1x128xi32, #tpu.memory_space<vmem>> -> memref<128xi32, #tpu.memory_space<vmem>>
    %dma_start3A_37 = arith.constant 0 : i32
    %dma_start3A_38 = arith.constant 0 : i32
    %dma_start3A_39 = tpu.memref_slice %arg4[%dma_start3A_37, %dma_start3A_38] : memref<1000000x64xf32, #tpu.memory_space<hbm>> -> memref<1000000x64xf32, #tpu.memory_space<hbm>>
    tpu.enqueue_indirect_dma source(%dma_start3A_39 : memref<1000000x64xf32, #tpu.memory_space<hbm>>) target(%dma_start3A_33 : memref<128x64xf32, #tpu.memory_space<vmem>>) offsets(%dma_start3A_36 : memref<128xi32, #tpu.memory_space<vmem>>) semaphore(%arg11 : memref<!tpu.dma_semaphore, #tpu.memory_space<semaphore_mem>>)
    %dma_start3A_40 = arith.constant 4 : i32
    %dma_start3A_41 = arith.constant 512 : i32
    %dma_start3A_42 = arith.constant 0 : i32
    %dma_start3A_43 = tpu.memref_slice %arg10[%dma_start3A_41, %dma_start3A_42] : memref<1024x64xf32, #tpu.memory_space<vmem>> -> memref<128x64xf32, #tpu.memory_space<vmem>>
    %dma_start3A_44 = arith.constant 0 : i32
    %dma_start3A_45 = tpu.memref_slice %arg8[%dma_start3A_40, %dma_start3A_44] : memref<8x128xi32, #tpu.memory_space<vmem>> -> memref<1x128xi32, #tpu.memory_space<vmem>>
    %dma_start3A_46 = tpu.memref_squeeze %dma_start3A_45 : memref<1x128xi32, #tpu.memory_space<vmem>> -> memref<128xi32, #tpu.memory_space<vmem>>
    %dma_start3A_47 = arith.constant 0 : i32
    %dma_start3A_48 = arith.constant 0 : i32
    %dma_start3A_49 = tpu.memref_slice %arg4[%dma_start3A_47, %dma_start3A_48] : memref<1000000x64xf32, #tpu.memory_space<hbm>> -> memref<1000000x64xf32, #tpu.memory_space<hbm>>
    tpu.enqueue_indirect_dma source(%dma_start3A_49 : memref<1000000x64xf32, #tpu.memory_space<hbm>>) target(%dma_start3A_43 : memref<128x64xf32, #tpu.memory_space<vmem>>) offsets(%dma_start3A_46 : memref<128xi32, #tpu.memory_space<vmem>>) semaphore(%arg11 : memref<!tpu.dma_semaphore, #tpu.memory_space<semaphore_mem>>)
    %dma_start3A_50 = arith.constant 5 : i32
    %dma_start3A_51 = arith.constant 640 : i32
    %dma_start3A_52 = arith.constant 0 : i32
    %dma_start3A_53 = tpu.memref_slice %arg10[%dma_start3A_51, %dma_start3A_52] : memref<1024x64xf32, #tpu.memory_space<vmem>> -> memref<128x64xf32, #tpu.memory_space<vmem>>
    %dma_start3A_54 = arith.constant 0 : i32
    %dma_start3A_55 = tpu.memref_slice %arg8[%dma_start3A_50, %dma_start3A_54] : memref<8x128xi32, #tpu.memory_space<vmem>> -> memref<1x128xi32, #tpu.memory_space<vmem>>
    %dma_start3A_56 = tpu.memref_squeeze %dma_start3A_55 : memref<1x128xi32, #tpu.memory_space<vmem>> -> memref<128xi32, #tpu.memory_space<vmem>>
    %dma_start3A_57 = arith.constant 0 : i32
    %dma_start3A_58 = arith.constant 0 : i32
    %dma_start3A_59 = tpu.memref_slice %arg4[%dma_start3A_57, %dma_start3A_58] : memref<1000000x64xf32, #tpu.memory_space<hbm>> -> memref<1000000x64xf32, #tpu.memory_space<hbm>>
    tpu.enqueue_indirect_dma source(%dma_start3A_59 : memref<1000000x64xf32, #tpu.memory_space<hbm>>) target(%dma_start3A_53 : memref<128x64xf32, #tpu.memory_space<vmem>>) offsets(%dma_start3A_56 : memref<128xi32, #tpu.memory_space<vmem>>) semaphore(%arg11 : memref<!tpu.dma_semaphore, #tpu.memory_space<semaphore_mem>>)
    %dma_start3A_60 = arith.constant 6 : i32
    %dma_start3A_61 = arith.constant 768 : i32
    %dma_start3A_62 = arith.constant 0 : i32
    %dma_start3A_63 = tpu.memref_slice %arg10[%dma_start3A_61, %dma_start3A_62] : memref<1024x64xf32, #tpu.memory_space<vmem>> -> memref<128x64xf32, #tpu.memory_space<vmem>>
    %dma_start3A_64 = arith.constant 0 : i32
    %dma_start3A_65 = tpu.memref_slice %arg8[%dma_start3A_60, %dma_start3A_64] : memref<8x128xi32, #tpu.memory_space<vmem>> -> memref<1x128xi32, #tpu.memory_space<vmem>>
    %dma_start3A_66 = tpu.memref_squeeze %dma_start3A_65 : memref<1x128xi32, #tpu.memory_space<vmem>> -> memref<128xi32, #tpu.memory_space<vmem>>
    %dma_start3A_67 = arith.constant 0 : i32
    %dma_start3A_68 = arith.constant 0 : i32
    %dma_start3A_69 = tpu.memref_slice %arg4[%dma_start3A_67, %dma_start3A_68] : memref<1000000x64xf32, #tpu.memory_space<hbm>> -> memref<1000000x64xf32, #tpu.memory_space<hbm>>
    tpu.enqueue_indirect_dma source(%dma_start3A_69 : memref<1000000x64xf32, #tpu.memory_space<hbm>>) target(%dma_start3A_63 : memref<128x64xf32, #tpu.memory_space<vmem>>) offsets(%dma_start3A_66 : memref<128xi32, #tpu.memory_space<vmem>>) semaphore(%arg11 : memref<!tpu.dma_semaphore, #tpu.memory_space<semaphore_mem>>)
    %dma_start3A_70 = arith.constant 7 : i32
    %dma_start3A_71 = arith.constant 896 : i32
    %dma_start3A_72 = arith.constant 0 : i32
    %dma_start3A_73 = tpu.memref_slice %arg10[%dma_start3A_71, %dma_start3A_72] : memref<1024x64xf32, #tpu.memory_space<vmem>> -> memref<128x64xf32, #tpu.memory_space<vmem>>
    %dma_start3A_74 = arith.constant 0 : i32
    %dma_start3A_75 = tpu.memref_slice %arg8[%dma_start3A_70, %dma_start3A_74] : memref<8x128xi32, #tpu.memory_space<vmem>> -> memref<1x128xi32, #tpu.memory_space<vmem>>
    %dma_start3A_76 = tpu.memref_squeeze %dma_start3A_75 : memref<1x128xi32, #tpu.memory_space<vmem>> -> memref<128xi32, #tpu.memory_space<vmem>>
    %dma_start3A_77 = arith.constant 0 : i32
    %dma_start3A_78 = arith.constant 0 : i32
    %dma_start3A_79 = tpu.memref_slice %arg4[%dma_start3A_77, %dma_start3A_78] : memref<1000000x64xf32, #tpu.memory_space<hbm>> -> memref<1000000x64xf32, #tpu.memory_space<hbm>>
    tpu.enqueue_indirect_dma source(%dma_start3A_79 : memref<1000000x64xf32, #tpu.memory_space<hbm>>) target(%dma_start3A_73 : memref<128x64xf32, #tpu.memory_space<vmem>>) offsets(%dma_start3A_76 : memref<128xi32, #tpu.memory_space<vmem>>) semaphore(%arg11 : memref<!tpu.dma_semaphore, #tpu.memory_space<semaphore_mem>>)
    %dma_wait3A = arith.constant 0 : i32
    %dma_wait3A_80 = arith.constant 0 : i32
    %dma_wait3A_81 = tpu.memref_slice %arg4[%dma_wait3A, %dma_wait3A_80] : memref<1000000x64xf32, #tpu.memory_space<hbm>> -> memref<1024x64xf32, #tpu.memory_space<hbm>>
    %dma_wait3A_82 = arith.constant 0 : i32
    %dma_wait3A_83 = arith.constant 0 : i32
    %dma_wait3A_84 = tpu.memref_slice %arg4[%dma_wait3A_82, %dma_wait3A_83] : memref<1000000x64xf32, #tpu.memory_space<hbm>> -> memref<1024x64xf32, #tpu.memory_space<hbm>>
    tpu.wait_dma2 semaphore(%arg11 : memref<!tpu.dma_semaphore, #tpu.memory_space<semaphore_mem>>) src(%dma_wait3A_84 : memref<1024x64xf32, #tpu.memory_space<hbm>>) dst(%arg10 : memref<1024x64xf32, #tpu.memory_space<vmem>>)
    "tpu.region"() ({
      %run_scoped3A = tpu.sem_alloc : memref<!tpu.dma_semaphore, #tpu.memory_space<semaphore_mem>>
      %dma_start3A_171 = arith.constant 0 : i32
      %dma_start3A_172 = tpu.memref_slice %arg6[%mul3A_0, %dma_start3A_171] : memref<16384x64xf32, #tpu.memory_space<hbm>> -> memref<1024x64xf32, #tpu.memory_space<hbm>>
      %dma_start3A_173 = arith.constant 0 : i32
      %dma_start3A_174 = tpu.memref_slice %arg6[%mul3A_0, %dma_start3A_173] : memref<16384x64xf32, #tpu.memory_space<hbm>> -> memref<1024x64xf32, #tpu.memory_space<hbm>>
      tpu.enqueue_dma source(%arg10 : memref<1024x64xf32, #tpu.memory_space<vmem>>) target(%dma_start3A_174 : memref<1024x64xf32, #tpu.memory_space<hbm>>) target_semaphore(%run_scoped3A : memref<!tpu.dma_semaphore, #tpu.memory_space<semaphore_mem>>)
      %dma_wait3A_175 = arith.constant 0 : i32
      %dma_wait3A_176 = tpu.memref_slice %arg6[%mul3A_0, %dma_wait3A_175] : memref<16384x64xf32, #tpu.memory_space<hbm>> -> memref<1024x64xf32, #tpu.memory_space<hbm>>
      %dma_wait3A_177 = arith.constant 0 : i32
      %dma_wait3A_178 = tpu.memref_slice %arg6[%mul3A_0, %dma_wait3A_177] : memref<16384x64xf32, #tpu.memory_space<hbm>> -> memref<1024x64xf32, #tpu.memory_space<hbm>>
      tpu.wait_dma2 semaphore(%run_scoped3A : memref<!tpu.dma_semaphore, #tpu.memory_space<semaphore_mem>>) src(%arg10 : memref<1024x64xf32, #tpu.memory_space<vmem>>) dst(%dma_wait3A_178 : memref<1024x64xf32, #tpu.memory_space<hbm>>)
      tpu.yield
    }) : () -> ()
    %dma_start3A_85 = arith.constant 0 : i32
    %dma_start3A_86 = arith.constant 0 : i32
    %dma_start3A_87 = arith.constant 0 : i32
    %dma_start3A_88 = tpu.memref_slice %arg10[%dma_start3A_86, %dma_start3A_87] : memref<1024x64xf32, #tpu.memory_space<vmem>> -> memref<128x64xf32, #tpu.memory_space<vmem>>
    %dma_start3A_89 = arith.constant 0 : i32
    %dma_start3A_90 = tpu.memref_slice %arg9[%dma_start3A_85, %dma_start3A_89] : memref<8x128xi32, #tpu.memory_space<vmem>> -> memref<1x128xi32, #tpu.memory_space<vmem>>
    %dma_start3A_91 = tpu.memref_squeeze %dma_start3A_90 : memref<1x128xi32, #tpu.memory_space<vmem>> -> memref<128xi32, #tpu.memory_space<vmem>>
    %dma_start3A_92 = arith.constant 0 : i32
    %dma_start3A_93 = arith.constant 0 : i32
    %dma_start3A_94 = tpu.memref_slice %arg5[%dma_start3A_92, %dma_start3A_93] : memref<1000000x64xf32, #tpu.memory_space<hbm>> -> memref<1000000x64xf32, #tpu.memory_space<hbm>>
    tpu.enqueue_indirect_dma source(%dma_start3A_94 : memref<1000000x64xf32, #tpu.memory_space<hbm>>) target(%dma_start3A_88 : memref<128x64xf32, #tpu.memory_space<vmem>>) offsets(%dma_start3A_91 : memref<128xi32, #tpu.memory_space<vmem>>) semaphore(%arg11 : memref<!tpu.dma_semaphore, #tpu.memory_space<semaphore_mem>>)
    %dma_start3A_95 = arith.constant 1 : i32
    %dma_start3A_96 = arith.constant 128 : i32
    %dma_start3A_97 = arith.constant 0 : i32
    %dma_start3A_98 = tpu.memref_slice %arg10[%dma_start3A_96, %dma_start3A_97] : memref<1024x64xf32, #tpu.memory_space<vmem>> -> memref<128x64xf32, #tpu.memory_space<vmem>>
    %dma_start3A_99 = arith.constant 0 : i32
    %dma_start3A_100 = tpu.memref_slice %arg9[%dma_start3A_95, %dma_start3A_99] : memref<8x128xi32, #tpu.memory_space<vmem>> -> memref<1x128xi32, #tpu.memory_space<vmem>>
    %dma_start3A_101 = tpu.memref_squeeze %dma_start3A_100 : memref<1x128xi32, #tpu.memory_space<vmem>> -> memref<128xi32, #tpu.memory_space<vmem>>
    %dma_start3A_102 = arith.constant 0 : i32
    %dma_start3A_103 = arith.constant 0 : i32
    %dma_start3A_104 = tpu.memref_slice %arg5[%dma_start3A_102, %dma_start3A_103] : memref<1000000x64xf32, #tpu.memory_space<hbm>> -> memref<1000000x64xf32, #tpu.memory_space<hbm>>
    tpu.enqueue_indirect_dma source(%dma_start3A_104 : memref<1000000x64xf32, #tpu.memory_space<hbm>>) target(%dma_start3A_98 : memref<128x64xf32, #tpu.memory_space<vmem>>) offsets(%dma_start3A_101 : memref<128xi32, #tpu.memory_space<vmem>>) semaphore(%arg11 : memref<!tpu.dma_semaphore, #tpu.memory_space<semaphore_mem>>)
    %dma_start3A_105 = arith.constant 2 : i32
    %dma_start3A_106 = arith.constant 256 : i32
    %dma_start3A_107 = arith.constant 0 : i32
    %dma_start3A_108 = tpu.memref_slice %arg10[%dma_start3A_106, %dma_start3A_107] : memref<1024x64xf32, #tpu.memory_space<vmem>> -> memref<128x64xf32, #tpu.memory_space<vmem>>
    %dma_start3A_109 = arith.constant 0 : i32
    %dma_start3A_110 = tpu.memref_slice %arg9[%dma_start3A_105, %dma_start3A_109] : memref<8x128xi32, #tpu.memory_space<vmem>> -> memref<1x128xi32, #tpu.memory_space<vmem>>
    %dma_start3A_111 = tpu.memref_squeeze %dma_start3A_110 : memref<1x128xi32, #tpu.memory_space<vmem>> -> memref<128xi32, #tpu.memory_space<vmem>>
    %dma_start3A_112 = arith.constant 0 : i32
    %dma_start3A_113 = arith.constant 0 : i32
    %dma_start3A_114 = tpu.memref_slice %arg5[%dma_start3A_112, %dma_start3A_113] : memref<1000000x64xf32, #tpu.memory_space<hbm>> -> memref<1000000x64xf32, #tpu.memory_space<hbm>>
    tpu.enqueue_indirect_dma source(%dma_start3A_114 : memref<1000000x64xf32, #tpu.memory_space<hbm>>) target(%dma_start3A_108 : memref<128x64xf32, #tpu.memory_space<vmem>>) offsets(%dma_start3A_111 : memref<128xi32, #tpu.memory_space<vmem>>) semaphore(%arg11 : memref<!tpu.dma_semaphore, #tpu.memory_space<semaphore_mem>>)
    %dma_start3A_115 = arith.constant 3 : i32
    %dma_start3A_116 = arith.constant 384 : i32
    %dma_start3A_117 = arith.constant 0 : i32
    %dma_start3A_118 = tpu.memref_slice %arg10[%dma_start3A_116, %dma_start3A_117] : memref<1024x64xf32, #tpu.memory_space<vmem>> -> memref<128x64xf32, #tpu.memory_space<vmem>>
    %dma_start3A_119 = arith.constant 0 : i32
    %dma_start3A_120 = tpu.memref_slice %arg9[%dma_start3A_115, %dma_start3A_119] : memref<8x128xi32, #tpu.memory_space<vmem>> -> memref<1x128xi32, #tpu.memory_space<vmem>>
    %dma_start3A_121 = tpu.memref_squeeze %dma_start3A_120 : memref<1x128xi32, #tpu.memory_space<vmem>> -> memref<128xi32, #tpu.memory_space<vmem>>
    %dma_start3A_122 = arith.constant 0 : i32
    %dma_start3A_123 = arith.constant 0 : i32
    %dma_start3A_124 = tpu.memref_slice %arg5[%dma_start3A_122, %dma_start3A_123] : memref<1000000x64xf32, #tpu.memory_space<hbm>> -> memref<1000000x64xf32, #tpu.memory_space<hbm>>
    tpu.enqueue_indirect_dma source(%dma_start3A_124 : memref<1000000x64xf32, #tpu.memory_space<hbm>>) target(%dma_start3A_118 : memref<128x64xf32, #tpu.memory_space<vmem>>) offsets(%dma_start3A_121 : memref<128xi32, #tpu.memory_space<vmem>>) semaphore(%arg11 : memref<!tpu.dma_semaphore, #tpu.memory_space<semaphore_mem>>)
    %dma_start3A_125 = arith.constant 4 : i32
    %dma_start3A_126 = arith.constant 512 : i32
    %dma_start3A_127 = arith.constant 0 : i32
    %dma_start3A_128 = tpu.memref_slice %arg10[%dma_start3A_126, %dma_start3A_127] : memref<1024x64xf32, #tpu.memory_space<vmem>> -> memref<128x64xf32, #tpu.memory_space<vmem>>
    %dma_start3A_129 = arith.constant 0 : i32
    %dma_start3A_130 = tpu.memref_slice %arg9[%dma_start3A_125, %dma_start3A_129] : memref<8x128xi32, #tpu.memory_space<vmem>> -> memref<1x128xi32, #tpu.memory_space<vmem>>
    %dma_start3A_131 = tpu.memref_squeeze %dma_start3A_130 : memref<1x128xi32, #tpu.memory_space<vmem>> -> memref<128xi32, #tpu.memory_space<vmem>>
    %dma_start3A_132 = arith.constant 0 : i32
    %dma_start3A_133 = arith.constant 0 : i32
    %dma_start3A_134 = tpu.memref_slice %arg5[%dma_start3A_132, %dma_start3A_133] : memref<1000000x64xf32, #tpu.memory_space<hbm>> -> memref<1000000x64xf32, #tpu.memory_space<hbm>>
    tpu.enqueue_indirect_dma source(%dma_start3A_134 : memref<1000000x64xf32, #tpu.memory_space<hbm>>) target(%dma_start3A_128 : memref<128x64xf32, #tpu.memory_space<vmem>>) offsets(%dma_start3A_131 : memref<128xi32, #tpu.memory_space<vmem>>) semaphore(%arg11 : memref<!tpu.dma_semaphore, #tpu.memory_space<semaphore_mem>>)
    %dma_start3A_135 = arith.constant 5 : i32
    %dma_start3A_136 = arith.constant 640 : i32
    %dma_start3A_137 = arith.constant 0 : i32
    %dma_start3A_138 = tpu.memref_slice %arg10[%dma_start3A_136, %dma_start3A_137] : memref<1024x64xf32, #tpu.memory_space<vmem>> -> memref<128x64xf32, #tpu.memory_space<vmem>>
    %dma_start3A_139 = arith.constant 0 : i32
    %dma_start3A_140 = tpu.memref_slice %arg9[%dma_start3A_135, %dma_start3A_139] : memref<8x128xi32, #tpu.memory_space<vmem>> -> memref<1x128xi32, #tpu.memory_space<vmem>>
    %dma_start3A_141 = tpu.memref_squeeze %dma_start3A_140 : memref<1x128xi32, #tpu.memory_space<vmem>> -> memref<128xi32, #tpu.memory_space<vmem>>
    %dma_start3A_142 = arith.constant 0 : i32
    %dma_start3A_143 = arith.constant 0 : i32
    %dma_start3A_144 = tpu.memref_slice %arg5[%dma_start3A_142, %dma_start3A_143] : memref<1000000x64xf32, #tpu.memory_space<hbm>> -> memref<1000000x64xf32, #tpu.memory_space<hbm>>
    tpu.enqueue_indirect_dma source(%dma_start3A_144 : memref<1000000x64xf32, #tpu.memory_space<hbm>>) target(%dma_start3A_138 : memref<128x64xf32, #tpu.memory_space<vmem>>) offsets(%dma_start3A_141 : memref<128xi32, #tpu.memory_space<vmem>>) semaphore(%arg11 : memref<!tpu.dma_semaphore, #tpu.memory_space<semaphore_mem>>)
    %dma_start3A_145 = arith.constant 6 : i32
    %dma_start3A_146 = arith.constant 768 : i32
    %dma_start3A_147 = arith.constant 0 : i32
    %dma_start3A_148 = tpu.memref_slice %arg10[%dma_start3A_146, %dma_start3A_147] : memref<1024x64xf32, #tpu.memory_space<vmem>> -> memref<128x64xf32, #tpu.memory_space<vmem>>
    %dma_start3A_149 = arith.constant 0 : i32
    %dma_start3A_150 = tpu.memref_slice %arg9[%dma_start3A_145, %dma_start3A_149] : memref<8x128xi32, #tpu.memory_space<vmem>> -> memref<1x128xi32, #tpu.memory_space<vmem>>
    %dma_start3A_151 = tpu.memref_squeeze %dma_start3A_150 : memref<1x128xi32, #tpu.memory_space<vmem>> -> memref<128xi32, #tpu.memory_space<vmem>>
    %dma_start3A_152 = arith.constant 0 : i32
    %dma_start3A_153 = arith.constant 0 : i32
    %dma_start3A_154 = tpu.memref_slice %arg5[%dma_start3A_152, %dma_start3A_153] : memref<1000000x64xf32, #tpu.memory_space<hbm>> -> memref<1000000x64xf32, #tpu.memory_space<hbm>>
    tpu.enqueue_indirect_dma source(%dma_start3A_154 : memref<1000000x64xf32, #tpu.memory_space<hbm>>) target(%dma_start3A_148 : memref<128x64xf32, #tpu.memory_space<vmem>>) offsets(%dma_start3A_151 : memref<128xi32, #tpu.memory_space<vmem>>) semaphore(%arg11 : memref<!tpu.dma_semaphore, #tpu.memory_space<semaphore_mem>>)
    %dma_start3A_155 = arith.constant 7 : i32
    %dma_start3A_156 = arith.constant 896 : i32
    %dma_start3A_157 = arith.constant 0 : i32
    %dma_start3A_158 = tpu.memref_slice %arg10[%dma_start3A_156, %dma_start3A_157] : memref<1024x64xf32, #tpu.memory_space<vmem>> -> memref<128x64xf32, #tpu.memory_space<vmem>>
    %dma_start3A_159 = arith.constant 0 : i32
    %dma_start3A_160 = tpu.memref_slice %arg9[%dma_start3A_155, %dma_start3A_159] : memref<8x128xi32, #tpu.memory_space<vmem>> -> memref<1x128xi32, #tpu.memory_space<vmem>>
    %dma_start3A_161 = tpu.memref_squeeze %dma_start3A_160 : memref<1x128xi32, #tpu.memory_space<vmem>> -> memref<128xi32, #tpu.memory_space<vmem>>
    %dma_start3A_162 = arith.constant 0 : i32
    %dma_start3A_163 = arith.constant 0 : i32
    %dma_start3A_164 = tpu.memref_slice %arg5[%dma_start3A_162, %dma_start3A_163] : memref<1000000x64xf32, #tpu.memory_space<hbm>> -> memref<1000000x64xf32, #tpu.memory_space<hbm>>
    tpu.enqueue_indirect_dma source(%dma_start3A_164 : memref<1000000x64xf32, #tpu.memory_space<hbm>>) target(%dma_start3A_158 : memref<128x64xf32, #tpu.memory_space<vmem>>) offsets(%dma_start3A_161 : memref<128xi32, #tpu.memory_space<vmem>>) semaphore(%arg11 : memref<!tpu.dma_semaphore, #tpu.memory_space<semaphore_mem>>)
    %dma_wait3A_165 = arith.constant 0 : i32
    %dma_wait3A_166 = arith.constant 0 : i32
    %dma_wait3A_167 = tpu.memref_slice %arg5[%dma_wait3A_165, %dma_wait3A_166] : memref<1000000x64xf32, #tpu.memory_space<hbm>> -> memref<1024x64xf32, #tpu.memory_space<hbm>>
    %dma_wait3A_168 = arith.constant 0 : i32
    %dma_wait3A_169 = arith.constant 0 : i32
    %dma_wait3A_170 = tpu.memref_slice %arg5[%dma_wait3A_168, %dma_wait3A_169] : memref<1000000x64xf32, #tpu.memory_space<hbm>> -> memref<1024x64xf32, #tpu.memory_space<hbm>>
    tpu.wait_dma2 semaphore(%arg11 : memref<!tpu.dma_semaphore, #tpu.memory_space<semaphore_mem>>) src(%dma_wait3A_170 : memref<1024x64xf32, #tpu.memory_space<hbm>>) dst(%arg10 : memref<1024x64xf32, #tpu.memory_space<vmem>>)
    "tpu.region"() ({
      %run_scoped3A = tpu.sem_alloc : memref<!tpu.dma_semaphore, #tpu.memory_space<semaphore_mem>>
      %dma_start3A_171 = arith.constant 0 : i32
      %dma_start3A_172 = tpu.memref_slice %arg7[%mul3A_0, %dma_start3A_171] : memref<16384x64xf32, #tpu.memory_space<hbm>> -> memref<1024x64xf32, #tpu.memory_space<hbm>>
      %dma_start3A_173 = arith.constant 0 : i32
      %dma_start3A_174 = tpu.memref_slice %arg7[%mul3A_0, %dma_start3A_173] : memref<16384x64xf32, #tpu.memory_space<hbm>> -> memref<1024x64xf32, #tpu.memory_space<hbm>>
      tpu.enqueue_dma source(%arg10 : memref<1024x64xf32, #tpu.memory_space<vmem>>) target(%dma_start3A_174 : memref<1024x64xf32, #tpu.memory_space<hbm>>) target_semaphore(%run_scoped3A : memref<!tpu.dma_semaphore, #tpu.memory_space<semaphore_mem>>)
      %dma_wait3A_175 = arith.constant 0 : i32
      %dma_wait3A_176 = tpu.memref_slice %arg7[%mul3A_0, %dma_wait3A_175] : memref<16384x64xf32, #tpu.memory_space<hbm>> -> memref<1024x64xf32, #tpu.memory_space<hbm>>
      %dma_wait3A_177 = arith.constant 0 : i32
      %dma_wait3A_178 = tpu.memref_slice %arg7[%mul3A_0, %dma_wait3A_177] : memref<16384x64xf32, #tpu.memory_space<hbm>> -> memref<1024x64xf32, #tpu.memory_space<hbm>>
      tpu.wait_dma2 semaphore(%run_scoped3A : memref<!tpu.dma_semaphore, #tpu.memory_space<semaphore_mem>>) src(%arg10 : memref<1024x64xf32, #tpu.memory_space<vmem>>) dst(%dma_wait3A_178 : memref<1024x64xf32, #tpu.memory_space<hbm>>)
      tpu.yield
    }) : () -> ()
    return
  }
}

module attributes {stable_mosaic.version = 14 : i64} {
  func.func @_mlp_body(%arg0: i32, %arg1: memref<2048x64xf32, #tpu.memory_space<vmem>>, %arg2: memref<2048x64xf32, #tpu.memory_space<vmem>>, %arg3: memref<64x128xf32, #tpu.memory_space<vmem>>, %arg4: memref<64x128xf32, #tpu.memory_space<vmem>>, %arg5: memref<1x128xf32, #tpu.memory_space<vmem>>, %arg6: memref<128x64xf32, #tpu.memory_space<vmem>>, %arg7: memref<1x64xf32, #tpu.memory_space<vmem>>, %arg8: memref<64x1xf32, #tpu.memory_space<vmem>>, %arg9: memref<1x1xf32, #tpu.memory_space<vmem>>, %arg10: memref<2048x1xf32, #tpu.memory_space<vmem>>) attributes {dimension_semantics = [#tpu.dimension_semantics<arbitrary>], iteration_bounds = array<i64: 8>, scalar_prefetch = 0 : i64, scratch_operands = 0 : i64, tpu.core_type = #tpu.core_type<tc>, window_params = [{transform_indices = @transform_0, window_bounds = array<i64: 2048, 64>}, {transform_indices = @transform_1, window_bounds = array<i64: 2048, 64>}, {pipeline_mode = #tpu.pipeline_mode<synchronous>, transform_indices = @transform_2, window_bounds = array<i64: 64, 128>}, {pipeline_mode = #tpu.pipeline_mode<synchronous>, transform_indices = @transform_3, window_bounds = array<i64: 64, 128>}, {pipeline_mode = #tpu.pipeline_mode<synchronous>, transform_indices = @transform_4, window_bounds = array<i64: 1, 128>}, {pipeline_mode = #tpu.pipeline_mode<synchronous>, transform_indices = @transform_5, window_bounds = array<i64: 128, 64>}, {pipeline_mode = #tpu.pipeline_mode<synchronous>, transform_indices = @transform_6, window_bounds = array<i64: 1, 64>}, {pipeline_mode = #tpu.pipeline_mode<synchronous>, transform_indices = @transform_7, window_bounds = array<i64: 64, 1>}, {pipeline_mode = #tpu.pipeline_mode<synchronous>, transform_indices = @transform_8, window_bounds = array<i64: 1, 1>}, {transform_indices = @transform_9, window_bounds = array<i64: 2048, 1>}]} {
    %get3A = arith.constant 0 : index
    %get3A_0 = arith.constant 0 : index
    %get3A_1 = vector.load %arg1[%get3A, %get3A_0] : memref<2048x64xf32, #tpu.memory_space<vmem>>, vector<2048x64xf32>
    %get3A_2 = arith.constant 0 : index
    %get3A_3 = arith.constant 0 : index
    %get3A_4 = vector.load %arg3[%get3A_2, %get3A_3] : memref<64x128xf32, #tpu.memory_space<vmem>>, vector<64x128xf32>
    %dot_general3A = arith.constant dense<0.000000e+00> : vector<2048x128xf32>
    %dot_general3A_5 = tpu.matmul %get3A_1, %get3A_4, %dot_general3A {dimension_numbers = #tpu.dot_dimension_numbers<[1], [0], [0], [1], [0, 0, 1, 1], [], []>, transpose_lhs_hint = false} : vector<2048x64xf32>, vector<64x128xf32>, vector<2048x128xf32> -> vector<2048x128xf32>
    %get3A_6 = arith.constant 0 : index
    %get3A_7 = arith.constant 0 : index
    %get3A_8 = vector.load %arg2[%get3A_6, %get3A_7] : memref<2048x64xf32, #tpu.memory_space<vmem>>, vector<2048x64xf32>
    %get3A_9 = arith.constant 0 : index
    %get3A_10 = arith.constant 0 : index
    %get3A_11 = vector.load %arg4[%get3A_9, %get3A_10] : memref<64x128xf32, #tpu.memory_space<vmem>>, vector<64x128xf32>
    %dot_general3A_12 = arith.constant dense<0.000000e+00> : vector<2048x128xf32>
    %dot_general3A_13 = tpu.matmul %get3A_8, %get3A_11, %dot_general3A_12 {dimension_numbers = #tpu.dot_dimension_numbers<[1], [0], [0], [1], [0, 0, 1, 1], [], []>, transpose_lhs_hint = false} : vector<2048x64xf32>, vector<64x128xf32>, vector<2048x128xf32> -> vector<2048x128xf32>
    %add3A = arith.addf %dot_general3A_5, %dot_general3A_13 : vector<2048x128xf32>
    %get3A_14 = arith.constant 0 : index
    %get3A_15 = arith.constant 0 : index
    %get3A_16 = vector.load %arg5[%get3A_14, %get3A_15] : memref<1x128xf32, #tpu.memory_space<vmem>>, vector<1x128xf32>
    %add3A_17 = vector.broadcast %get3A_16 : vector<1x128xf32> to vector<2048x128xf32>
    %add3A_18 = arith.addf %add3A, %add3A_17 : vector<2048x128xf32>
    %max3A = arith.constant 0.000000e+00 : f32
    %max3A_19 = vector.broadcast %max3A : f32 to vector<2048x128xf32>
    %max3A_20 = arith.maximumf %add3A_18, %max3A_19 : vector<2048x128xf32>
    %get3A_21 = arith.constant 0 : index
    %get3A_22 = arith.constant 0 : index
    %get3A_23 = vector.load %arg6[%get3A_21, %get3A_22] : memref<128x64xf32, #tpu.memory_space<vmem>>, vector<128x64xf32>
    %dot_general3A_24 = arith.constant dense<0.000000e+00> : vector<2048x64xf32>
    %dot_general3A_25 = tpu.matmul %max3A_20, %get3A_23, %dot_general3A_24 {dimension_numbers = #tpu.dot_dimension_numbers<[1], [0], [0], [1], [0, 0, 1, 1], [], []>, transpose_lhs_hint = false} : vector<2048x128xf32>, vector<128x64xf32>, vector<2048x64xf32> -> vector<2048x64xf32>
    %get3A_26 = arith.constant 0 : index
    %get3A_27 = arith.constant 0 : index
    %get3A_28 = vector.load %arg7[%get3A_26, %get3A_27] : memref<1x64xf32, #tpu.memory_space<vmem>>, vector<1x64xf32>
    %add3A_29 = vector.broadcast %get3A_28 : vector<1x64xf32> to vector<2048x64xf32>
    %add3A_30 = arith.addf %dot_general3A_25, %add3A_29 : vector<2048x64xf32>
    %max3A_31 = arith.constant 0.000000e+00 : f32
    %max3A_32 = vector.broadcast %max3A_31 : f32 to vector<2048x64xf32>
    %max3A_33 = arith.maximumf %add3A_30, %max3A_32 : vector<2048x64xf32>
    %get3A_34 = arith.constant 0 : index
    %get3A_35 = arith.constant 0 : index
    %get3A_36 = vector.load %arg8[%get3A_34, %get3A_35] : memref<64x1xf32, #tpu.memory_space<vmem>>, vector<64x1xf32>
    %dot_general3A_37 = arith.constant dense<0.000000e+00> : vector<2048x1xf32>
    %dot_general3A_38 = tpu.matmul %max3A_33, %get3A_36, %dot_general3A_37 {dimension_numbers = #tpu.dot_dimension_numbers<[1], [0], [0], [1], [0, 0, 1, 1], [], []>, transpose_lhs_hint = false} : vector<2048x64xf32>, vector<64x1xf32>, vector<2048x1xf32> -> vector<2048x1xf32>
    %get3A_39 = arith.constant 0 : index
    %get3A_40 = arith.constant 0 : index
    %get3A_41 = vector.load %arg9[%get3A_39, %get3A_40] : memref<1x1xf32, #tpu.memory_space<vmem>>, vector<1x1xf32>
    %add3A_42 = vector.broadcast %get3A_41 : vector<1x1xf32> to vector<2048x1xf32>
    %add3A_43 = arith.addf %dot_general3A_38, %add3A_42 : vector<2048x1xf32>
    %logistic3A = arith.negf %add3A_43 : vector<2048x1xf32>
    %logistic3A_44 = math.exp %logistic3A : vector<2048x1xf32>
    %logistic3A_45 = arith.constant 1.000000e+00 : f32
    %logistic3A_46 = vector.broadcast %logistic3A_45 : f32 to vector<2048x1xf32>
    %logistic3A_47 = arith.addf %logistic3A_46, %logistic3A_44 : vector<2048x1xf32>
    %logistic3A_48 = arith.divf %logistic3A_46, %logistic3A_47 : vector<2048x1xf32>
    %swap3A = arith.constant 0 : index
    %swap3A_49 = arith.constant 0 : index
    %swap3A_50 = vector.load %arg10[%swap3A, %swap3A_49] : memref<2048x1xf32, #tpu.memory_space<vmem>>, vector<2048x1xf32>
    tpu.vector_store %arg10[%swap3A, %swap3A_49], %logistic3A_48 {strides = array<i32>} : memref<2048x1xf32, #tpu.memory_space<vmem>>, vector<2048x1xf32>,
    return
  }
  func.func @transform_0(%arg0: i32) -> (i32, i32) {
    %c0_i32 = arith.constant 0 : i32
    %c0_i32_0 = arith.constant 0 : i32
    return %arg0, %c0_i32 : i32, i32
  }
  func.func @transform_1(%arg0: i32) -> (i32, i32) {
    %c0_i32 = arith.constant 0 : i32
    %c0_i32_0 = arith.constant 0 : i32
    return %arg0, %c0_i32 : i32, i32
  }
  func.func @transform_2(%arg0: i32) -> (i32, i32) {
    %c0_i32 = arith.constant 0 : i32
    %c0_i32_0 = arith.constant 0 : i32
    %c0_i32_1 = arith.constant 0 : i32
    return %c0_i32, %c0_i32_0 : i32, i32
  }
  func.func @transform_3(%arg0: i32) -> (i32, i32) {
    %c0_i32 = arith.constant 0 : i32
    %c0_i32_0 = arith.constant 0 : i32
    %c0_i32_1 = arith.constant 0 : i32
    return %c0_i32, %c0_i32_0 : i32, i32
  }
  func.func @transform_4(%arg0: i32) -> (i32, i32) {
    %c0_i32 = arith.constant 0 : i32
    %c0_i32_0 = arith.constant 0 : i32
    %c0_i32_1 = arith.constant 0 : i32
    return %c0_i32, %c0_i32_0 : i32, i32
  }
  func.func @transform_5(%arg0: i32) -> (i32, i32) {
    %c0_i32 = arith.constant 0 : i32
    %c0_i32_0 = arith.constant 0 : i32
    %c0_i32_1 = arith.constant 0 : i32
    return %c0_i32, %c0_i32_0 : i32, i32
  }
  func.func @transform_6(%arg0: i32) -> (i32, i32) {
    %c0_i32 = arith.constant 0 : i32
    %c0_i32_0 = arith.constant 0 : i32
    %c0_i32_1 = arith.constant 0 : i32
    return %c0_i32, %c0_i32_0 : i32, i32
  }
  func.func @transform_7(%arg0: i32) -> (i32, i32) {
    %c0_i32 = arith.constant 0 : i32
    %c0_i32_0 = arith.constant 0 : i32
    %c0_i32_1 = arith.constant 0 : i32
    return %c0_i32, %c0_i32_0 : i32, i32
  }
  func.func @transform_8(%arg0: i32) -> (i32, i32) {
    %c0_i32 = arith.constant 0 : i32
    %c0_i32_0 = arith.constant 0 : i32
    %c0_i32_1 = arith.constant 0 : i32
    return %c0_i32, %c0_i32_0 : i32, i32
  }
  func.func @transform_9(%arg0: i32) -> (i32, i32) {
    %c0_i32 = arith.constant 0 : i32
    %c0_i32_0 = arith.constant 0 : i32
    return %arg0, %c0_i32 : i32, i32
  }
}

</mosaic_0001>

<sc_bundles>
// kernel: kernel.4.cloned.1.call-start
scs
__scs_entry_jumppad:
0x0: {  	(pc) =	sbr.rel $0x88, $3  }
0x1: {  	(tag) =	ssettag $0x0;
	lr =	simm.s32 $0x1  }
0x2: {  	[smem:$0x3F97] =	sst lr;
	_ =	strace $0xD0000000  }
0x3: {  	_ = 	snop  }
0x4: {  	_ = 	snop  }
0x5: {  	_ = 	snop  }
0x6: {  	_ = 	snop  }
0x7: {  	_ = 	snop  }
__scs_overlays_trampoline_lowered:
0x8: {  	[smem:$0x3FA6] =	sst s0  }
0x9: {  	[smem:$0x3FA7] =	sst s1  }
0xa: {  	[smem:$0x3FA8] =	sst s2  }
0xb: {  	[smem:$0x3FA9] =	sst s3  }
0xc: {  	[smem:$0x3FAA] =	sst s4  }
0xd: {  	[smem:$0x3FAB] =	sst s5  }
0xe: {  	[smem:$0x3FAC] =	sst s6  }
0xf: {  	[smem:$0x3FAD] =	sst s7  }
0x10: {  	[smem:$0x3FAE] =	sst s8  }
0x11: {  	[smem:$0x3FAF] =	sst s9;
	s0 =	simm.s32 @!p0 $0x0  }
0x12: {  	s1 =	sld [smem:$0x3F95];
	s0 =	simm.s32 @p0 $0x1  }
0x13: {  	[smem:$0x3FB0] =	sst s0;
	s0 =	simm.s32 @!p1 $0x0  }
0x14: {  	s2 =	sld [smem:$0x3F94];
	s0 =	simm.s32 @p1 $0x1  }
0x15: {  	[smem:$0x3FB1] =	sst s0;
	s0 =	simm.s32 @!p2 $0x0  }
0x16: {  	s3 =	sld [smem:$0x3FDB];
	s0 =	simm.s32 @p2 $0x1  }
0x17: {  	s4 =	simm.s32 $0x1BF5;
	[smem:$0x3FB3] =	sst s0  }
0x18: {  	s0 =	sld [smem:$0x3F96];
	_ =	swait.ge [sflag:s4], $0x0  }
0x19: {  	s7 =	sld [smem:$0x3F97]  }
0x1a: {  	s8 =	sadd.s32 $0xFFFFE003, lr  }
0x1b: {  	s9 =	sadd.s32 $0xFFFFFEF7, lr;
	s5 =	simm.s32 $0xFFFFFFFF;
	p2 =	slt.u32 s8, $0xFFFFF086  }
0x1c: {  	p1 =	slt.u32 s9, $0xF7A;
	s5 =	simm.s32 @!p2 $0x0  }
0x1d: {  	s5 =	simm.s32 @p1 $0x1;
	p0 =	seq.s32 s7, s2  }
0x1e: {  	s7 =	smul.u32 @!p0 $0xF7A, s2;
	p2 =	seq.s32 @!p0 s5, $0x0  }
0x1f: {  	s9 =	smul.u32 $0xF7A, s1;
	s8 =	simm.s32 @!p0 $0x1BF5;
	p2 =	por !p2, p0  }
0x20: {  	[sflag:s8] =	ssyncset.s32 @!p0 $0xFFFFF086;
	s6 =	sadd.s32 @!p0 s3, s7;
	s7 =	simm.s32 @!p0 $0x108  }
0x21: {  	s3 =	sadd.s32 s3, s9;
	s6 =	sadd.s32 @!p0 $0x88, s6;
	s7 =	simm.s32 @p2 $0x1082  }
0x22: {  	[simem:s7], [sflag:s8] =	dma.local @!p0 [hbm:s6], $0xF7A  }
0x23: {  	s9 =	sor.u32 $0xD0000000, s2;
	s6 =	simm.s32 $0x108;
	_ =	swait.ge @!p0 [sflag:s8], $0x0  }
0x24: {  	s3 =	sadd.s32 $0x88, s3;
	s6 =	simm.s32 @!p1 $0x1082;
	[sflag:s4] =	ssyncset.s32 $0xFFFFF086  }
0x25: {  	[simem:s6], [sflag:s4] =	dma.local [hbm:s3], $0xF7A  }
0x26: {  	[smem:$0x3F97] =	sst s1;
	(tag) =	ssettag s2;
	_ =	strace s9  }
0x27: {  	s1 =	sld [smem:$0x3FA7]  }
0x28: {  	s2 =	sld [smem:$0x3FA8]  }
0x29: {  	s4 =	sld [smem:$0x3FAA]  }
0x2a: {  	p0 =	seq.s32 s5, $0x0;
	s5 =	sld [smem:$0x3FAB]  }
0x2b: {  	s6 =	sld [smem:$0x3FAC]  }
0x2c: {  	s7 =	sld [smem:$0x3FAD]  }
0x2d: {  	s3 =	simm.s32 $0x108;
	s8 =	sld [smem:$0x3FAE]  }
0x2e: {  	s3 =	simm.s32 @!p0 $0x1082;
	s9 =	sld [smem:$0x3FAF]  }
0x2f: {  	lr =	sadd.s32 s0, s3;
	s0 =	sld [smem:$0x3FA6]  }
0x30: {  	s3 =	sld [smem:$0x3FA9]  }
0x31: {  	[smem:$0x3FB2] =	sst s10  }
0x32: {  	s10 =	sld [smem:$0x3FB0];
	_ =	sdelay $0x3  }
0x33: {  	p0 =	seq.s32 s10, $0x1;
	s10 =	sld [smem:$0x3FB2];
	_ =	sdelay $0x3  }
0x34: {  	[smem:$0x3FB2] =	sst s10  }
0x35: {  	s10 =	sld [smem:$0x3FB1];
	_ =	sdelay $0x3  }
0x36: {  	p1 =	seq.s32 s10, $0x1;
	s10 =	sld [smem:$0x3FB2];
	_ =	sdelay $0x3  }
0x37: {  	[smem:$0x3FB2] =	sst s10  }
0x38: {  	s10 =	sld [smem:$0x3FB3]  }
0x39: {  	_ = 	snop;
	(pc) =	sbr.ind lr, $3  }
0x3a: {  	_ = 	snop  }
0x3b: {  	_ = 	snop  }
0x3c: {  	p2 =	seq.s32 s10, $0x1;
	s10 =	sld [smem:$0x3FB2]  }
0x3d: {  	_ =	shalt  }
0x3e: {  	_ =	shalt  }
0x3f: {  	_ =	shalt  }
0x40: {  	_ =	shalt  }
0x41: {  	_ =	shalt  }
0x42: {  	_ =	shalt  }
0x43: {  	_ =	shalt  }
0x44: {  	_ =	shalt  }
0x45: {  	_ =	shalt  }
0x46: {  	_ =	shalt  }
0x47: {  	_ =	shalt  }
0x48: {  	_ =	shalt  }
0x49: {  	_ =	shalt  }
0x4a: {  	_ =	shalt  }
0x4b: {  	_ =	shalt  }
0x4c: {  	_ =	shalt  }
0x4d: {  	_ =	shalt  }
0x4e: {  	_ =	shalt  }
0x4f: {  	_ =	shalt  }
0x50: {  	_ =	shalt  }
0x51: {  	_ =	shalt  }
0x52: {  	_ =	shalt  }
0x53: {  	_ =	shalt  }
0x54: {  	_ =	shalt  }
0x55: {  	_ =	shalt  }
0x56: {  	_ =	shalt  }
0x57: {  	_ =	shalt  }
0x58: {  	_ =	shalt  }
0x59: {  	_ =	shalt  }
0x5a: {  	_ =	shalt  }
0x5b: {  	_ =	shalt  }
0x5c: {  	_ =	shalt  }
0x5d: {  	_ =	shalt  }
0x5e: {  	_ =	shalt  }
0x5f: {  	_ =	shalt  }
0x60: {  	_ =	shalt  }
0x61: {  	_ =	shalt  }
0x62: {  	_ =	shalt  }
0x63: {  	_ =	shalt  }
0x64: {  	_ =	shalt  }
0x65: {  	_ =	shalt  }
0x66: {  	_ =	shalt  }
0x67: {  	_ =	shalt  }
0x68: {  	_ =	shalt  }
0x69: {  	_ =	shalt  }
0x6a: {  	_ =	shalt  }
0x6b: {  	_ =	shalt  }
0x6c: {  	_ =	shalt  }
0x6d: {  	_ =	shalt  }
0x6e: {  	_ =	shalt  }
0x6f: {  	_ =	shalt  }
0x70: {  	_ =	shalt  }
0x71: {  	_ =	shalt  }
0x72: {  	_ =	shalt  }
0x73: {  	_ =	shalt  }
0x74: {  	_ =	shalt  }
0x75: {  	_ =	shalt  }
0x76: {  	_ =	shalt  }
0x77: {  	_ =	shalt  }
0x78: {  	_ =	shalt  }
0x79: {  	_ =	shalt  }
0x7a: {  	_ =	shalt  }
0x7b: {  	_ =	shalt  }
0x7c: {  	_ =	shalt  }
0x7d: {  	_ =	shalt  }
0x7e: {  	_ =	shalt  }
0x7f: {  	_ =	shalt  }
0x80: {  	_ =	shalt  }
0x81: {  	_ =	shalt  }
0x82: {  	_ =	shalt  }
0x83: {  	_ =	shalt  }
0x84: {  	_ =	shalt  }
0x85: {  	_ =	shalt  }
0x86: {  	_ =	shalt  }
0x87: {  	_ =	shalt  }
.Lfunc_end0:
.L_simem_size_0:
called_computation_lowered:
.L_overlay_start_0:
0x88: {  	s0 =	sld [smem:$0x3FD9]  }
0x89: {  	s1 =	sld [smem:$0x3FFE];
	_ =	sdelay $0x3  }
0x8a: {  	s0 =	sadd.s32 s1, s0  }
0x8b: {  	[smem:$0x3FBE] =	sst s0  }
0x8c: {  	_ = 	snop  }
0x8d: {  	s0 =	sld [smem:$0x3FC9]  }
0x8e: {  	s16 =	sld [smem:$0x3FC8];
	(tm) =	ssettm $0x1  }
0x8f: {  	s2 =	sld [smem:$0x3FFB];
	_ =	sdelay $0x3  }
0x90: {  	_ =	strace s2  }
0x91: {  	s2 =	sld [smem:$0x3FFC];
	_ =	sdelay $0x3  }
0x92: {  	_ =	strace s2  }
0x93: {  	s2 =	sld [smem:$0x3FFD];
	_ =	sdelay $0x3  }
0x94: {  	_ =	strace s2  }
0x95: {  	_ =	strace $0x8FFFFFFF  }
0x96: {  	s17 =	sld [smem:$0x3FDB];
	_ =	sdelay $0x1  }
0x97: {  	s3 =	simm.s32 $_scs_section_size  }
0x98: {  	s4 =	simm.s32 $_size__tile_overlayer_lowered;
	s5 =	simm.s32 $_tile_overlayer_lowered  }
0x99: {  	s20 =	simm.s32 $0x1BFF;
	s19 =	sshll.u32 s5, $0x1;
	s2 =	sadd.s32 s3, s17  }
0x9a: {  	s6 =	simm.s32 $0x0;
	s18 =	sshll.u32 s4, $0x1;
	s4 =	sadd.s32 s19, s2  }
0x9b: {  	[timem:s6], [sflag:s20] =	dma.local [hbm:s4], s18  }
0x9c: {  	_ =	swait.ge [sflag:s20], s18  }
0x9d: {  	s3 =	ssub.s32 $0x0, s18;
	[sflag:s20] =	ssyncset.done $0x0  }
0x9e: {  	[sflag:s20] =	ssyncadd.s32 s3;
	_ =	sdelay $0x1  }
0x9f: {  	s21 =	simm.s32 $0x1B8B  }
0xa0: {  	_ =	swait.ge [sflag:s21], $0x1  }
0xa1: {  	[sflag:s21] =	ssyncset.done $0x0  }
0xa2: {  	s23 =	simm.s32 $0x1B8E;
	s22 =	sld [smem:$0x3FFE];
	[sflag:s21] =	ssyncadd.s32 $0xFFFFFFFF  }
0xa3: {  	s24 =	simm.s32 $execute0_lowered;
	[smem:$0x3FD2] =	sst s23  }
0xa4: {  	s4 =	sshll.u32 s24, $0x1;
	_ =	strace $0x80000046;
	[dreg:$0x1] =	wrdreg $0xFFFFFFFF  }
0xa5: {  	s25 =	simm.s32 $_size_execute0_lowered;
	s2 =	sadd.s32 s2, s4;
	[dreg:$0x0] =	wrdreg $0x0  }
0xa6: {  	s4 =	sshll.u32 s25, $0x1;
	[dreg:$0x2] =	wrdreg s2  }
0xa7: {  	[dreg:$0x3] =	wrdreg s4  }
0xa8: {  	[dreg:$0x4] =	wrdreg $0xC0  }
0xa9: {  	_ =	task [dreg:s6], $0x5FFFF  }
0xaa: {  	[dreg:$0x1] =	wrdreg $0xFFFFFFFF  }
0xab: {  	[dreg:$0x0] =	wrdreg $0x60  }
0xac: {  	[dreg:$0x2] =	wrdreg s0  }
0xad: {  	[dreg:$0x3] =	wrdreg s16  }
0xae: {  	[dreg:$0x4] =	wrdreg s22  }
0xaf: {  	[dreg:$0x5] =	wrdreg $0x9  }
0xb0: {  	_ =	task.clear_ibuf [dreg:s6], $0x6FFFF;
	_ =	strace $0x90000046  }
0xb1: {  	s26 =	simm.s32 $0x9;
	_ =	strace $0x80000048  }
0xb2: {  	_ =	swait.ge [sflag:s26], $0x1  }
0xb3: {  	[sflag:s26] =	ssyncadd.s32 $0xFFFFFFFF  }
0xb4: {  	_ =	strace $0x90000048  }
0xb5: {  	_ =	sfence  }
0xb6: {  	s28 =	sld [smem:$0x0];
	_ =	sdelay $0x1  }
0xb7: {  	s29 =	srdreg.scid  }
0xb8: {  	s30 =	sshll.u32 s29, $0xD;
	s31 =	sshrl.u32 s29, $0x2  }
0xb9: {  	s1 =	sand.u32 $0x1, s29;
	s2 =	sand.u32 $0x4000, s30;
	s0 =	sadd.s32 s31, s28  }
0xba: {  	s1 =	sor.u32 s2, s1;
	s0 =	sshll.u32 s0, $0x11  }
0xbb: {  	s0 =	sor.u32 s0, s1  }
0xbc: {  	s0 =	sadd.s32 $0x8F2B, s0  }
0xbd: {  	[sflag:s0] =	ssyncadd.remote.s32 $0x1  }
0xbe: {  	_ =	sfence.sel $0xFFFF  }
0xbf: {  	[dreg:$0x0] =	wrdreg $0xFFFFFFFF;
	(pc) =	sbr.abs _section_cstart, $3  }
0xc0: {  	[dreg:$0x1] =	wrdreg $0xFFFFFFFF  }
0xc1: {  	_ =	task.clear_ibuf [dreg:s6], $0x2FFFF;
	_ =	strace $0x9FFFFFFF  }
0xc2: {  	(tm) =	ssettm $0x7FFFFFFF  }
0xc3: {  	_ =	shalt  }
tec
execute0_lowered:
.L_overlay_start_1:
0x0: {  	(tag) =	ssettag $0x1  }
0x1: {  	s3 =	rddreg [dreg:$0x0]  }
0x2: {  	s4 =	rddreg [dreg:$0x1]  }
0x3: {  	s5 =	rddreg [dreg:$0x2];
	s2 =	simm.s32 $0x0;
	s1 =	stileid.u32  }
0x4: {  	[smem:$0x7FF] =	sst s2;
	s6 =	sshll.u32 s1, $0x7  }
0x5: {  	s0 =	rddreg [dreg:$0x3];
	_ =	strace $0x80000047;
	s3 =	sadd.s32 s3, s6  }
0x6: {  	[tilespmem:s2], [sflag:$0x2] =	stream.linear.gather [hbm4b:s3+s2], $0x400, $0x38;
	[tilespmem:$0x10800] =	vst v63  }
0x7: {  	s3 =	simm.s32 $0x2  }
0x8: {  	_ =	swait.ge [sflag:s3], $0x400  }
0x9: {  	[sflag:s3] =	ssyncset.done $0x0  }
0xa: {  	s30 =	simm.s32 $0x400;
	s4 =	sadd.s32 s4, s6;
	[sflag:s3] =	ssyncadd.s32 $0xFFFFFC00  }
0xb: {  	[tilespmem:s30], [sflag:$0x2] =	stream.linear.gather [hbm4b:s4+s2], $0x400, $0x38;
	[tilespmem:$0x10800] =	vst v63  }
0xc: {  	_ =	swait.ge [sflag:s3], $0x400  }
0xd: {  	s7 =	simm.s32 $0x80;
	[sflag:s3] =	ssyncset.done $0x0  }
0xe: {  	s8 =	simm.s32 $0x800;
	s31 =	sadd.s32 $0x16E4A00, s5;
	[sflag:s3] =	ssyncadd.s32 $0xFFFFFC00  }
0xf: {  	[tilespmem:s8], [sflag:$0x1] =	stream.indirect.gather [hbm4b:s31+s7], $0x40, s2, s7, $0xb8;
	[tilespmem:$0x10800] =	vst v63  }
0x10: {  	s9 =	simm.s32 $0x2800  }
0x11: {  	[tilespmem:s9], [sflag:$0x1] =	stream.indirect.gather [hbm4b:s31+s7], $0x40, s7, s7, $0xb8;
	[tilespmem:$0x10800] =	vst v63  }
0x12: {  	s10 =	simm.s32 $0x100;
	s11 =	simm.s32 $0x4800  }
0x13: {  	[tilespmem:s11], [sflag:$0x1] =	stream.indirect.gather [hbm4b:s31+s7], $0x40, s10, s7, $0xb8;
	[tilespmem:$0x10800] =	vst v63  }
0x14: {  	s16 =	simm.s32 $0x180;
	s12 =	simm.s32 $0x6800  }
0x15: {  	[tilespmem:s12], [sflag:$0x1] =	stream.indirect.gather [hbm4b:s31+s7], $0x40, s16, s7, $0xb8;
	[tilespmem:$0x10800] =	vst v63  }
0x16: {  	s17 =	simm.s32 $0x200;
	s13 =	simm.s32 $0x8800  }
0x17: {  	[tilespmem:s13], [sflag:$0x1] =	stream.indirect.gather [hbm4b:s31+s7], $0x40, s17, s7, $0xb8;
	[tilespmem:$0x10800] =	vst v63  }
0x18: {  	s18 =	simm.s32 $0x280;
	s14 =	simm.s32 $0xA800  }
0x19: {  	[tilespmem:s14], [sflag:$0x1] =	stream.indirect.gather [hbm4b:s31+s7], $0x40, s18, s7, $0xb8;
	[tilespmem:$0x10800] =	vst v63  }
0x1a: {  	s19 =	simm.s32 $0x300;
	s15 =	simm.s32 $0xC800  }
0x1b: {  	[tilespmem:s15], [sflag:$0x1] =	stream.indirect.gather [hbm4b:s31+s7], $0x40, s19, s7, $0xb8;
	[tilespmem:$0x10800] =	vst v63  }
0x1c: {  	s20 =	simm.s32 $0x380;
	s21 =	simm.s32 $0x1;
	s16 =	simm.s32 $0xE800  }
0x1d: {  	[tilespmem:s16], [sflag:$0x1] =	stream.indirect.gather [hbm4b:s31+s7], $0x40, s20, s7, $0xb8;
	[tilespmem:$0x10800] =	vst v63  }
0x1e: {  	s22 =	sshll.u32 s1, $0xD;
	_ =	swait.ge [sflag:s21], $0x10000  }
0x1f: {  	s10 =	sadd.s32 s22, s5;
	[sflag:s21] =	ssyncset.done $0x0  }
0x20: {  	s17 =	sadd.s32 $0x21400, s10;
	[sflag:s21] =	ssyncadd.s32 $0xFFFF0000  }
0x21: {  	[hbm4b:s17+s2] =	stream.linear.scatter [tilespmem:s8], [sflag:$0x2], $0x10000, $0x38;
	[tilespmem:$0x10800] =	vst v63  }
0x22: {  	_ =	swait.ge [sflag:s3], $0x10000  }
0x23: {  	[sflag:s3] =	ssyncset.done $0x0  }
0x24: {  	s5 =	sadd.s32 $0xF43800, s5;
	[sflag:s3] =	ssyncadd.s32 $0xFFFF0000  }
0x25: {  	[tilespmem:s8], [sflag:$0x1] =	stream.indirect.gather [hbm4b:s5+s7], $0x40, s30, s7, $0xb8;
	[tilespmem:$0x10800] =	vst v63  }
0x26: {  	s23 =	simm.s32 $0x480  }
0x27: {  	[tilespmem:s9], [sflag:$0x1] =	stream.indirect.gather [hbm4b:s5+s7], $0x40, s23, s7, $0xb8;
	[tilespmem:$0x10800] =	vst v63  }
0x28: {  	s24 =	simm.s32 $0x500  }
0x29: {  	[tilespmem:s11], [sflag:$0x1] =	stream.indirect.gather [hbm4b:s5+s7], $0x40, s24, s7, $0xb8;
	[tilespmem:$0x10800] =	vst v63  }
0x2a: {  	s25 =	simm.s32 $0x580  }
0x2b: {  	[tilespmem:s12], [sflag:$0x1] =	stream.indirect.gather [hbm4b:s5+s7], $0x40, s25, s7, $0xb8;
	[tilespmem:$0x10800] =	vst v63  }
0x2c: {  	s26 =	simm.s32 $0x600  }
0x2d: {  	[tilespmem:s13], [sflag:$0x1] =	stream.indirect.gather [hbm4b:s5+s7], $0x40, s26, s7, $0xb8;
	[tilespmem:$0x10800] =	vst v63  }
0x2e: {  	s28 =	simm.s32 $0x680  }
0x2f: {  	[tilespmem:s14], [sflag:$0x1] =	stream.indirect.gather [hbm4b:s5+s7], $0x40, s28, s7, $0xb8;
	[tilespmem:$0x10800] =	vst v63  }
0x30: {  	s29 =	simm.s32 $0x700  }
0x31: {  	[tilespmem:s15], [sflag:$0x1] =	stream.indirect.gather [hbm4b:s5+s7], $0x40, s29, s7, $0xb8;
	[tilespmem:$0x10800] =	vst v63  }
0x32: {  	s30 =	simm.s32 $0x780  }
0x33: {  	[tilespmem:s16], [sflag:$0x1] =	stream.indirect.gather [hbm4b:s5+s7], $0x40, s30, s7, $0xb8;
	[tilespmem:$0x10800] =	vst v63  }
0x34: {  	_ =	swait.ge [sflag:s21], $0x10000  }
0x35: {  	[sflag:s21] =	ssyncset.done $0x0  }
0x36: {  	s31 =	sadd.s32 $0x1400, s10;
	[sflag:s21] =	ssyncadd.s32 $0xFFFF0000  }
0x37: {  	[hbm4b:s31+s2] =	stream.linear.scatter [tilespmem:s8], [sflag:$0x2], $0x10000, $0x38;
	[tilespmem:$0x10800] =	vst v63  }
0x38: {  	_ =	swait.ge [sflag:s3], $0x10000  }
0x39: {  	[sflag:s3] =	ssyncset.done $0x0  }
0x3a: {  	[sflag:s3] =	ssyncadd.s32 $0xFFFF0000  }
0x3b: {  	_ =	sfence.sel $0x180000  }
0x3c: {  	[bflag:$0x0] =	sbarrier.arrive $0xFFFF  }
0x3d: {  	p0 =	sne.s32 s1, $0x0;
	_ =	strace $0x90000047  }
0x3e: {  	s0 =	sadd.s32 @!p0 $0x100000, s0;
	[bflag:$0x2] =	sbarrier.arrive $0xFFFF  }
0x3f: {  	[sflag:s0] =	ssyncadd.tile.s32 @!p0 $0x1;
	_ =	shalt  }
.Lfunc_end2:
_tile_overlayer_lowered:
.L_overlay_start_2:
0x40: {  	(tag) =	ssettag $0x2  }
0x41: {  	s0 =	rddreg [dreg:$0x0];
	s2 =	stileid.u32  }
0x42: {  	s1 =	rddreg [dreg:$0x1];
	p0 =	sne.s32 s2, $0x0  }
0x43: {  	s3 =	rddreg [dreg:$0x2];
	[bflag:$0x3] =	sbarrier.arrive $0xFFFF;
	s2 =	simm.s32 @!p0 $0x1C02  }
0x44: {  	[timem:s3], [sflag:s2] =	dma.local @!p0 [hbm:s0], s1  }
0x45: {  	s0 =	simm.s32 @!p0 $0x2  }
0x46: {  	_ =	swait.ge @!p0 [sflag:s0], s1  }
0x47: {  	s1 =	ssub.s32 @!p0 $0x0, s1;
	[sflag:s0] =	ssyncset.done @!p0 $0x0  }
0x48: {  	[sflag:s0] =	ssyncadd.s32 @!p0 s1  }
0x49: {  	[bflag:$0x3] =	sbarrier.arrive $0xFFFF  }
0x4a: {  	_ =	shalt  }

</sc_bundles>
